<compile_context>
chip_gen: v7x
topology: tpu7x:2x2x1
jax: 0.10.2.dev20260603
libtpu: 0.0.44.dev20260713+nightly
codegen_flags: <defaults>
</compile_context>

<pallas_src>
import jax
import jax.numpy as jnp
from jax import lax
from jax.experimental import pallas as pl
from jax.experimental.pallas import tpu as pltpu
from jax.experimental.pallas import tpu_sc as plsc
import functools


_ROWS = 128
_COLS = 32768
_BLOCK_ROWS = 32

_NC = 2
_NS = 16
_NW = _NC * _NS
_WROWS = 8
_HALF = _COLS // 2
_ZCOLS = 2048
_CHUNKS = _HALF // _ZCOLS


def _season_block(x_ref, season_ref):
    x = x_ref[...]
    row = jax.lax.broadcasted_iota(jnp.int32, x.shape, 0)
    is_row0 = (row + pl.program_id(0) * _BLOCK_ROWS) == 0
    season_ref[...] = jnp.where(is_row0, jnp.zeros_like(x), x)


def _season_tc(x):
    grid = (_ROWS // _BLOCK_ROWS,)
    spec = pl.BlockSpec((_BLOCK_ROWS, _COLS), lambda i: (i, 0))
    return pl.pallas_call(
        _season_block,
        grid=grid,
        in_specs=[spec],
        out_specs=spec,
        out_shape=jax.ShapeDtypeStruct((_ROWS, _COLS), x.dtype),
        compiler_params=pltpu.CompilerParams(
            dimension_semantics=("parallel",),
        ),
    )(x)


@functools.partial(
    pl.kernel,
    out_type=jax.ShapeDtypeStruct((_ROWS, _COLS), jnp.float32),
    mesh=plsc.VectorSubcoreMesh(core_axis_name="c", subcore_axis_name="s"),
    scratch_types=[
        pltpu.VMEM((_WROWS, _ZCOLS), jnp.float32),
        pltpu.SemaphoreType.DMA((_CHUNKS,)),
    ],
)
def _trend_sc(x_ref, out_ref, zbuf, sems):
    wid = lax.axis_index("s") * _NC + lax.axis_index("c")
    row0 = (wid // 2) * _WROWS
    col0 = (wid % 2) * _HALF

    def _zero_step(i, carry):
        zbuf[i // (_ZCOLS // 16), pl.ds((i % (_ZCOLS // 16)) * 16, 16)] = (
            jnp.zeros((16,), jnp.float32))
        return carry

    lax.fori_loop(0, _WROWS * _ZCOLS // 16, _zero_step, 0)

    copies = [
        pltpu.async_copy(
            zbuf,
            out_ref.at[pl.ds(row0, _WROWS), pl.ds(col0 + k * _ZCOLS, _ZCOLS)],
            sems.at[k])
        for k in range(_CHUNKS)
    ]
    for c in copies:
        c.wait()

    @pl.when(row0 == 0)
    def _():
        pltpu.sync_copy(x_ref.at[pl.ds(0, 1), pl.ds(col0, _HALF)],
                        out_ref.at[pl.ds(0, 1), pl.ds(col0, _HALF)])


def kernel(x):
    trend = _trend_sc(x)
    season = _season_tc(x)
    return (season, trend)

# --- scband reference (transcript-rebuilt; emitter-appended) ---
"""Pipeline reference for scband-dft-series-decomp-19653770347072 (READ-ONLY COPY).

The authoritative reference and input builder live on the scoring server;
editing this copy changes nothing except your own understanding.
"""

import jax, jax.numpy as jnp
import numpy as np

TOP_K = 5

def setup_inputs(seed: int = 0) -> dict:
    key = jax.random.key(seed)
    x = jax.random.normal(key, (128, 32768), dtype=jnp.float32)
    return {"x": x}

def reference(x):
    # xf = torch.fft.rfft(x)  (over last dim)
    xf = jnp.fft.rfft(x, axis=-1)
    freq = jnp.abs(xf)
    # freq[0] = 0  -> zeros the first slice along dim 0 (faithful to torch indexing)
    freq = freq.at[0].set(0.0)
    # topk over last dim, k=top_k
    top_k_freq, top_list = jax.lax.top_k(freq, TOP_K)
    # global min of the topk values (torch .min() reduces over all elements)
    thresh = top_k_freq.min()
    # xf[freq <= thresh] = 0
    xf = jnp.where(freq <= thresh, jnp.zeros_like(xf), xf)
    x_season = jnp.fft.irfft(xf, axis=-1)
    x_trend = x - x_season
    return (x_season, x_trend)

if __name__ == "__main__":
    import jax
    _d = setup_inputs()
    print(jax.jit(kernel)(*tuple(_d.values())))

</pallas_src>

<mosaic_0001>
#map = affine_map<(d0, d1) -> (0, 0)>
module attributes {stable_mosaic.version = 14 : i64} {
  func.func @_trend_sc(%arg0: i32, %arg1: i32, %arg2: memref<128x32768xf32, #tpu.memory_space<hbm>>, %arg3: memref<128x32768xf32, #tpu.memory_space<hbm>>, %arg4: memref<8x2048xf32, #tpu.memory_space<vmem>>, %arg5: memref<8x!tpu.dma_semaphore, #tpu.memory_space<semaphore_mem>>) attributes {dimension_semantics = [#tpu.dimension_semantics<core_parallel>, #tpu.dimension_semantics<subcore_parallel>], iteration_bounds = array<i64: 2, 16>, scalar_prefetch = 0 : i64, scratch_operands = 2 : i64, tpu.core_type = #tpu.core_type<sc_vector_subcore>, window_params = [{transform_indices = #map}, {transform_indices = #map}]} {
    %mul3A = arith.constant 2 : i32
    %mul3A_0 = arith.muli %arg1, %mul3A : i32
    %add3A = arith.addi %mul3A_0, %arg0 : i32
    %jit3A = arith.constant 2 : i32
    %div3A = arith.divsi %add3A, %jit3A : i32
    %sign3A = arith.constant 0 : i32
    %sign3A_1 = arith.cmpi sgt, %add3A, %sign3A : i32
    %sign3A_2 = arith.extui %sign3A_1 : i1 to i32
    %sign3A_3 = arith.constant 0 : i32
    %sign3A_4 = arith.cmpi slt, %add3A, %sign3A_3 : i32
    %sign3A_5 = arith.extui %sign3A_4 : i1 to i32
    %sign3A_6 = arith.subi %sign3A_2, %sign3A_5 : i32
    %sign3A_7 = arith.constant 0 : i32
    %sign3A_8 = arith.cmpi sgt, %jit3A, %sign3A_7 : i32
    %sign3A_9 = arith.extui %sign3A_8 : i1 to i32
    %sign3A_10 = arith.constant 0 : i32
    %sign3A_11 = arith.cmpi slt, %jit3A, %sign3A_10 : i32
    %sign3A_12 = arith.extui %sign3A_11 : i1 to i32
    %sign3A_13 = arith.subi %sign3A_9, %sign3A_12 : i32
    %ne3A = arith.cmpi ne, %sign3A_6, %sign3A_13 : i32
    %rem3A = arith.remsi %add3A, %jit3A : i32
    %ne3A_14 = arith.constant 0 : i32
    %ne3A_15 = arith.cmpi ne, %rem3A, %ne3A_14 : i32
    %and3A = arith.andi %ne3A, %ne3A_15 : i1
    %sub3A = arith.constant 1 : i32
    %sub3A_16 = arith.subi %div3A, %sub3A : i32
    %select_n3A = arith.select %and3A, %sub3A_16, %div3A : i32
    %mul3A_17 = arith.constant 8 : i32
    %mul3A_18 = arith.muli %select_n3A, %mul3A_17 : i32
    %jit3A_19 = arith.constant 2 : i32
    %eq3A = arith.constant 0 : i32
    %eq3A_20 = arith.cmpi eq, %jit3A_19, %eq3A : i32
    %jit3A_21 = arith.constant 1 : i32
    %select_n3A_22 = arith.select %eq3A_20, %jit3A_21, %jit3A_19 : i32
    %rem3A_23 = arith.remsi %add3A, %select_n3A_22 : i32
    %ne3A_24 = arith.constant 0 : i32
    %ne3A_25 = arith.cmpi ne, %rem3A_23, %ne3A_24 : i32
    %lt3A = arith.constant 0 : i32
    %lt3A_26 = arith.cmpi slt, %rem3A_23, %lt3A : i32
    %lt3A_27 = arith.constant 0 : i32
    %lt3A_28 = arith.cmpi slt, %select_n3A_22, %lt3A_27 : i32
    %ne3A_29 = arith.xori %lt3A_26, %lt3A_28 : i1
    %and3A_30 = arith.andi %ne3A_29, %ne3A_25 : i1
    %add3A_31 = arith.addi %rem3A_23, %select_n3A_22 : i32
    %select_n3A_32 = arith.select %and3A_30, %add3A_31, %rem3A_23 : i32
    %mul3A_33 = arith.constant 16384 : i32
    %mul3A_34 = arith.muli %select_n3A_32, %mul3A_33 : i32
    %scan3A = arith.constant 0 : i32
    %scan3A_35 = arith.constant 0 : i32
    %scan3A_36 = arith.constant 1024 : i32
    %scan3A_37 = arith.addi %scan3A_35, %scan3A_36 : i32
    %scan3A_38 = arith.constant 1 : i32
    scf.for %scan3A_137 = %scan3A_35 to %scan3A_37 step %scan3A_38  : i32 {
      %broadcast_in_dim3A = arith.constant 0.000000e+00 : f32
      %broadcast_in_dim3A_138 = vector.broadcast %broadcast_in_dim3A : f32 to vector<16xf32>
      %jit3A_139 = arith.constant 128 : i32
      %div3A_140 = arith.divsi %scan3A_137, %jit3A_139 : i32
      %sign3A_141 = arith.constant 0 : i32
      %sign3A_142 = arith.cmpi sgt, %scan3A_137, %sign3A_141 : i32
      %sign3A_143 = arith.extui %sign3A_142 : i1 to i32
      %sign3A_144 = arith.constant 0 : i32
      %sign3A_145 = arith.cmpi slt, %scan3A_137, %sign3A_144 : i32
      %sign3A_146 = arith.extui %sign3A_145 : i1 to i32
      %sign3A_147 = arith.subi %sign3A_143, %sign3A_146 : i32
      %sign3A_148 = arith.constant 0 : i32
      %sign3A_149 = arith.cmpi sgt, %jit3A_139, %sign3A_148 : i32
      %sign3A_150 = arith.extui %sign3A_149 : i1 to i32
      %sign3A_151 = arith.constant 0 : i32
      %sign3A_152 = arith.cmpi slt, %jit3A_139, %sign3A_151 : i32
      %sign3A_153 = arith.extui %sign3A_152 : i1 to i32
      %sign3A_154 = arith.subi %sign3A_150, %sign3A_153 : i32
      %ne3A_155 = arith.cmpi ne, %sign3A_147, %sign3A_154 : i32
      %rem3A_156 = arith.remsi %scan3A_137, %jit3A_139 : i32
      %ne3A_157 = arith.constant 0 : i32
      %ne3A_158 = arith.cmpi ne, %rem3A_156, %ne3A_157 : i32
      %and3A_159 = arith.andi %ne3A_155, %ne3A_158 : i1
      %sub3A_160 = arith.constant 1 : i32
      %sub3A_161 = arith.subi %div3A_140, %sub3A_160 : i32
      %select_n3A_162 = arith.select %and3A_159, %sub3A_161, %div3A_140 : i32
      %jit3A_163 = arith.constant 128 : i32
      %eq3A_164 = arith.constant 0 : i32
      %eq3A_165 = arith.cmpi eq, %jit3A_163, %eq3A_164 : i32
      %jit3A_166 = arith.constant 1 : i32
      %select_n3A_167 = arith.select %eq3A_165, %jit3A_166, %jit3A_163 : i32
      %rem3A_168 = arith.remsi %scan3A_137, %select_n3A_167 : i32
      %ne3A_169 = arith.constant 0 : i32
      %ne3A_170 = arith.cmpi ne, %rem3A_168, %ne3A_169 : i32
      %lt3A_171 = arith.constant 0 : i32
      %lt3A_172 = arith.cmpi slt, %rem3A_168, %lt3A_171 : i32
      %lt3A_173 = arith.constant 0 : i32
      %lt3A_174 = arith.cmpi slt, %select_n3A_167, %lt3A_173 : i32
      %ne3A_175 = arith.xori %lt3A_172, %lt3A_174 : i1
      %and3A_176 = arith.andi %ne3A_175, %ne3A_170 : i1
      %add3A_177 = arith.addi %rem3A_168, %select_n3A_167 : i32
      %select_n3A_178 = arith.select %and3A_176, %add3A_177, %rem3A_168 : i32
      %mul3A_179 = arith.constant 16 : i32
      %mul3A_180 = arith.muli %select_n3A_178, %mul3A_179 : i32
      %swap3A = arith.index_cast %select_n3A_162 : i32 to index
      %swap3A_181 = arith.index_cast %mul3A_180 : i32 to index
      %swap3A_182 = tpu.vector_load %arg4[%swap3A, %swap3A_181] {strides = array<i32>} : memref<8x2048xf32, #tpu.memory_space<vmem>>, vector<1x16xf32>,
      %swap3A_183 = vector.shape_cast %swap3A_182 : vector<1x16xf32> to vector<16xf32>
      %swap3A_184 = vector.shape_cast %broadcast_in_dim3A_138 : vector<16xf32> to vector<1x16xf32>
      tpu.vector_store %arg4[%swap3A, %swap3A_181], %swap3A_184 {strides = array<i32>} : memref<8x2048xf32, #tpu.memory_space<vmem>>, vector<1x16xf32>,
    }
    %scan3A_39 = arith.constant 1024 : i32
    %add3A_40 = arith.constant 0 : i32
    %add3A_41 = arith.addi %mul3A_34, %add3A_40 : i32
    %dma_start3A = arith.constant 0 : i32
    %dma_start3A_42 = tpu.memref_slice %arg3[%mul3A_18, %add3A_41] : memref<128x32768xf32, #tpu.memory_space<hbm>> -> memref<8x2048xf32, #tpu.memory_space<hbm>>
    %dma_start3A_43 = tpu.memref_slice %arg5[%dma_start3A] : memref<8x!tpu.dma_semaphore, #tpu.memory_space<semaphore_mem>> -> memref<1x!tpu.dma_semaphore, #tpu.memory_space<semaphore_mem>>
    %dma_start3A_44 = tpu.memref_squeeze %dma_start3A_43 : memref<1x!tpu.dma_semaphore, #tpu.memory_space<semaphore_mem>> -> memref<!tpu.dma_semaphore, #tpu.memory_space<semaphore_mem>>
    %dma_start3A_45 = tpu.memref_slice %arg3[%mul3A_18, %add3A_41] : memref<128x32768xf32, #tpu.memory_space<hbm>> -> memref<8x2048xf32, #tpu.memory_space<hbm>>
    tpu.enqueue_dma source(%arg4 : memref<8x2048xf32, #tpu.memory_space<vmem>>) target(%dma_start3A_45 : memref<8x2048xf32, #tpu.memory_space<hbm>>) target_semaphore(%dma_start3A_44 : memref<!tpu.dma_semaphore, #tpu.memory_space<semaphore_mem>>)
    %add3A_46 = arith.constant 2048 : i32
    %add3A_47 = arith.addi %mul3A_34, %add3A_46 : i32
    %dma_start3A_48 = arith.constant 1 : i32
    %dma_start3A_49 = tpu.memref_slice %arg3[%mul3A_18, %add3A_47] : memref<128x32768xf32, #tpu.memory_space<hbm>> -> memref<8x2048xf32, #tpu.memory_space<hbm>>
    %dma_start3A_50 = tpu.memref_slice %arg5[%dma_start3A_48] : memref<8x!tpu.dma_semaphore, #tpu.memory_space<semaphore_mem>> -> memref<1x!tpu.dma_semaphore, #tpu.memory_space<semaphore_mem>>
    %dma_start3A_51 = tpu.memref_squeeze %dma_start3A_50 : memref<1x!tpu.dma_semaphore, #tpu.memory_space<semaphore_mem>> -> memref<!tpu.dma_semaphore, #tpu.memory_space<semaphore_mem>>
    %dma_start3A_52 = tpu.memref_slice %arg3[%mul3A_18, %add3A_47] : memref<128x32768xf32, #tpu.memory_space<hbm>> -> memref<8x2048xf32, #tpu.memory_space<hbm>>
    tpu.enqueue_dma source(%arg4 : memref<8x2048xf32, #tpu.memory_space<vmem>>) target(%dma_start3A_52 : memref<8x2048xf32, #tpu.memory_space<hbm>>) target_semaphore(%dma_start3A_51 : memref<!tpu.dma_semaphore, #tpu.memory_space<semaphore_mem>>)
    %add3A_53 = arith.constant 4096 : i32
    %add3A_54 = arith.addi %mul3A_34, %add3A_53 : i32
    %dma_start3A_55 = arith.constant 2 : i32
    %dma_start3A_56 = tpu.memref_slice %arg3[%mul3A_18, %add3A_54] : memref<128x32768xf32, #tpu.memory_space<hbm>> -> memref<8x2048xf32, #tpu.memory_space<hbm>>
    %dma_start3A_57 = tpu.memref_slice %arg5[%dma_start3A_55] : memref<8x!tpu.dma_semaphore, #tpu.memory_space<semaphore_mem>> -> memref<1x!tpu.dma_semaphore, #tpu.memory_space<semaphore_mem>>
    %dma_start3A_58 = tpu.memref_squeeze %dma_start3A_57 : memref<1x!tpu.dma_semaphore, #tpu.memory_space<semaphore_mem>> -> memref<!tpu.dma_semaphore, #tpu.memory_space<semaphore_mem>>
    %dma_start3A_59 = tpu.memref_slice %arg3[%mul3A_18, %add3A_54] : memref<128x32768xf32, #tpu.memory_space<hbm>> -> memref<8x2048xf32, #tpu.memory_space<hbm>>
    tpu.enqueue_dma source(%arg4 : memref<8x2048xf32, #tpu.memory_space<vmem>>) target(%dma_start3A_59 : memref<8x2048xf32, #tpu.memory_space<hbm>>) target_semaphore(%dma_start3A_58 : memref<!tpu.dma_semaphore, #tpu.memory_space<semaphore_mem>>)
    %add3A_60 = arith.constant 6144 : i32
    %add3A_61 = arith.addi %mul3A_34, %add3A_60 : i32
    %dma_start3A_62 = arith.constant 3 : i32
    %dma_start3A_63 = tpu.memref_slice %arg3[%mul3A_18, %add3A_61] : memref<128x32768xf32, #tpu.memory_space<hbm>> -> memref<8x2048xf32, #tpu.memory_space<hbm>>
    %dma_start3A_64 = tpu.memref_slice %arg5[%dma_start3A_62] : memref<8x!tpu.dma_semaphore, #tpu.memory_space<semaphore_mem>> -> memref<1x!tpu.dma_semaphore, #tpu.memory_space<semaphore_mem>>
    %dma_start3A_65 = tpu.memref_squeeze %dma_start3A_64 : memref<1x!tpu.dma_semaphore, #tpu.memory_space<semaphore_mem>> -> memref<!tpu.dma_semaphore, #tpu.memory_space<semaphore_mem>>
    %dma_start3A_66 = tpu.memref_slice %arg3[%mul3A_18, %add3A_61] : memref<128x32768xf32, #tpu.memory_space<hbm>> -> memref<8x2048xf32, #tpu.memory_space<hbm>>
    tpu.enqueue_dma source(%arg4 : memref<8x2048xf32, #tpu.memory_space<vmem>>) target(%dma_start3A_66 : memref<8x2048xf32, #tpu.memory_space<hbm>>) target_semaphore(%dma_start3A_65 : memref<!tpu.dma_semaphore, #tpu.memory_space<semaphore_mem>>)
    %add3A_67 = arith.constant 8192 : i32
    %add3A_68 = arith.addi %mul3A_34, %add3A_67 : i32
    %dma_start3A_69 = arith.constant 4 : i32
    %dma_start3A_70 = tpu.memref_slice %arg3[%mul3A_18, %add3A_68] : memref<128x32768xf32, #tpu.memory_space<hbm>> -> memref<8x2048xf32, #tpu.memory_space<hbm>>
    %dma_start3A_71 = tpu.memref_slice %arg5[%dma_start3A_69] : memref<8x!tpu.dma_semaphore, #tpu.memory_space<semaphore_mem>> -> memref<1x!tpu.dma_semaphore, #tpu.memory_space<semaphore_mem>>
    %dma_start3A_72 = tpu.memref_squeeze %dma_start3A_71 : memref<1x!tpu.dma_semaphore, #tpu.memory_space<semaphore_mem>> -> memref<!tpu.dma_semaphore, #tpu.memory_space<semaphore_mem>>
    %dma_start3A_73 = tpu.memref_slice %arg3[%mul3A_18, %add3A_68] : memref<128x32768xf32, #tpu.memory_space<hbm>> -> memref<8x2048xf32, #tpu.memory_space<hbm>>
    tpu.enqueue_dma source(%arg4 : memref<8x2048xf32, #tpu.memory_space<vmem>>) target(%dma_start3A_73 : memref<8x2048xf32, #tpu.memory_space<hbm>>) target_semaphore(%dma_start3A_72 : memref<!tpu.dma_semaphore, #tpu.memory_space<semaphore_mem>>)
    %add3A_74 = arith.constant 10240 : i32
    %add3A_75 = arith.addi %mul3A_34, %add3A_74 : i32
    %dma_start3A_76 = arith.constant 5 : i32
    %dma_start3A_77 = tpu.memref_slice %arg3[%mul3A_18, %add3A_75] : memref<128x32768xf32, #tpu.memory_space<hbm>> -> memref<8x2048xf32, #tpu.memory_space<hbm>>
    %dma_start3A_78 = tpu.memref_slice %arg5[%dma_start3A_76] : memref<8x!tpu.dma_semaphore, #tpu.memory_space<semaphore_mem>> -> memref<1x!tpu.dma_semaphore, #tpu.memory_space<semaphore_mem>>
    %dma_start3A_79 = tpu.memref_squeeze %dma_start3A_78 : memref<1x!tpu.dma_semaphore, #tpu.memory_space<semaphore_mem>> -> memref<!tpu.dma_semaphore, #tpu.memory_space<semaphore_mem>>
    %dma_start3A_80 = tpu.memref_slice %arg3[%mul3A_18, %add3A_75] : memref<128x32768xf32, #tpu.memory_space<hbm>> -> memref<8x2048xf32, #tpu.memory_space<hbm>>
    tpu.enqueue_dma source(%arg4 : memref<8x2048xf32, #tpu.memory_space<vmem>>) target(%dma_start3A_80 : memref<8x2048xf32, #tpu.memory_space<hbm>>) target_semaphore(%dma_start3A_79 : memref<!tpu.dma_semaphore, #tpu.memory_space<semaphore_mem>>)
    %add3A_81 = arith.constant 12288 : i32
    %add3A_82 = arith.addi %mul3A_34, %add3A_81 : i32
    %dma_start3A_83 = arith.constant 6 : i32
    %dma_start3A_84 = tpu.memref_slice %arg3[%mul3A_18, %add3A_82] : memref<128x32768xf32, #tpu.memory_space<hbm>> -> memref<8x2048xf32, #tpu.memory_space<hbm>>
    %dma_start3A_85 = tpu.memref_slice %arg5[%dma_start3A_83] : memref<8x!tpu.dma_semaphore, #tpu.memory_space<semaphore_mem>> -> memref<1x!tpu.dma_semaphore, #tpu.memory_space<semaphore_mem>>
    %dma_start3A_86 = tpu.memref_squeeze %dma_start3A_85 : memref<1x!tpu.dma_semaphore, #tpu.memory_space<semaphore_mem>> -> memref<!tpu.dma_semaphore, #tpu.memory_space<semaphore_mem>>
    %dma_start3A_87 = tpu.memref_slice %arg3[%mul3A_18, %add3A_82] : memref<128x32768xf32, #tpu.memory_space<hbm>> -> memref<8x2048xf32, #tpu.memory_space<hbm>>
    tpu.enqueue_dma source(%arg4 : memref<8x2048xf32, #tpu.memory_space<vmem>>) target(%dma_start3A_87 : memref<8x2048xf32, #tpu.memory_space<hbm>>) target_semaphore(%dma_start3A_86 : memref<!tpu.dma_semaphore, #tpu.memory_space<semaphore_mem>>)
    %add3A_88 = arith.constant 14336 : i32
    %add3A_89 = arith.addi %mul3A_34, %add3A_88 : i32
    %dma_start3A_90 = arith.constant 7 : i32
    %dma_start3A_91 = tpu.memref_slice %arg3[%mul3A_18, %add3A_89] : memref<128x32768xf32, #tpu.memory_space<hbm>> -> memref<8x2048xf32, #tpu.memory_space<hbm>>
    %dma_start3A_92 = tpu.memref_slice %arg5[%dma_start3A_90] : memref<8x!tpu.dma_semaphore, #tpu.memory_space<semaphore_mem>> -> memref<1x!tpu.dma_semaphore, #tpu.memory_space<semaphore_mem>>
    %dma_start3A_93 = tpu.memref_squeeze %dma_start3A_92 : memref<1x!tpu.dma_semaphore, #tpu.memory_space<semaphore_mem>> -> memref<!tpu.dma_semaphore, #tpu.memory_space<semaphore_mem>>
    %dma_start3A_94 = tpu.memref_slice %arg3[%mul3A_18, %add3A_89] : memref<128x32768xf32, #tpu.memory_space<hbm>> -> memref<8x2048xf32, #tpu.memory_space<hbm>>
    tpu.enqueue_dma source(%arg4 : memref<8x2048xf32, #tpu.memory_space<vmem>>) target(%dma_start3A_94 : memref<8x2048xf32, #tpu.memory_space<hbm>>) target_semaphore(%dma_start3A_93 : memref<!tpu.dma_semaphore, #tpu.memory_space<semaphore_mem>>)
    %dma_wait3A = arith.constant 0 : i32
    %dma_wait3A_95 = tpu.memref_slice %arg3[%mul3A_18, %add3A_41] : memref<128x32768xf32, #tpu.memory_space<hbm>> -> memref<8x2048xf32, #tpu.memory_space<hbm>>
    %dma_wait3A_96 = tpu.memref_slice %arg5[%dma_wait3A] : memref<8x!tpu.dma_semaphore, #tpu.memory_space<semaphore_mem>> -> memref<1x!tpu.dma_semaphore, #tpu.memory_space<semaphore_mem>>
    %dma_wait3A_97 = tpu.memref_squeeze %dma_wait3A_96 : memref<1x!tpu.dma_semaphore, #tpu.memory_space<semaphore_mem>> -> memref<!tpu.dma_semaphore, #tpu.memory_space<semaphore_mem>>
    %dma_wait3A_98 = tpu.memref_slice %arg3[%mul3A_18, %add3A_41] : memref<128x32768xf32, #tpu.memory_space<hbm>> -> memref<8x2048xf32, #tpu.memory_space<hbm>>
    tpu.wait_dma2 semaphore(%dma_wait3A_97 : memref<!tpu.dma_semaphore, #tpu.memory_space<semaphore_mem>>) src(%arg4 : memref<8x2048xf32, #tpu.memory_space<vmem>>) dst(%dma_wait3A_98 : memref<8x2048xf32, #tpu.memory_space<hbm>>)
    %dma_wait3A_99 = arith.constant 1 : i32
    %dma_wait3A_100 = tpu.memref_slice %arg3[%mul3A_18, %add3A_47] : memref<128x32768xf32, #tpu.memory_space<hbm>> -> memref<8x2048xf32, #tpu.memory_space<hbm>>
    %dma_wait3A_101 = tpu.memref_slice %arg5[%dma_wait3A_99] : memref<8x!tpu.dma_semaphore, #tpu.memory_space<semaphore_mem>> -> memref<1x!tpu.dma_semaphore, #tpu.memory_space<semaphore_mem>>
    %dma_wait3A_102 = tpu.memref_squeeze %dma_wait3A_101 : memref<1x!tpu.dma_semaphore, #tpu.memory_space<semaphore_mem>> -> memref<!tpu.dma_semaphore, #tpu.memory_space<semaphore_mem>>
    %dma_wait3A_103 = tpu.memref_slice %arg3[%mul3A_18, %add3A_47] : memref<128x32768xf32, #tpu.memory_space<hbm>> -> memref<8x2048xf32, #tpu.memory_space<hbm>>
    tpu.wait_dma2 semaphore(%dma_wait3A_102 : memref<!tpu.dma_semaphore, #tpu.memory_space<semaphore_mem>>) src(%arg4 : memref<8x2048xf32, #tpu.memory_space<vmem>>) dst(%dma_wait3A_103 : memref<8x2048xf32, #tpu.memory_space<hbm>>)
    %dma_wait3A_104 = arith.constant 2 : i32
    %dma_wait3A_105 = tpu.memref_slice %arg3[%mul3A_18, %add3A_54] : memref<128x32768xf32, #tpu.memory_space<hbm>> -> memref<8x2048xf32, #tpu.memory_space<hbm>>
    %dma_wait3A_106 = tpu.memref_slice %arg5[%dma_wait3A_104] : memref<8x!tpu.dma_semaphore, #tpu.memory_space<semaphore_mem>> -> memref<1x!tpu.dma_semaphore, #tpu.memory_space<semaphore_mem>>
    %dma_wait3A_107 = tpu.memref_squeeze %dma_wait3A_106 : memref<1x!tpu.dma_semaphore, #tpu.memory_space<semaphore_mem>> -> memref<!tpu.dma_semaphore, #tpu.memory_space<semaphore_mem>>
    %dma_wait3A_108 = tpu.memref_slice %arg3[%mul3A_18, %add3A_54] : memref<128x32768xf32, #tpu.memory_space<hbm>> -> memref<8x2048xf32, #tpu.memory_space<hbm>>
    tpu.wait_dma2 semaphore(%dma_wait3A_107 : memref<!tpu.dma_semaphore, #tpu.memory_space<semaphore_mem>>) src(%arg4 : memref<8x2048xf32, #tpu.memory_space<vmem>>) dst(%dma_wait3A_108 : memref<8x2048xf32, #tpu.memory_space<hbm>>)
    %dma_wait3A_109 = arith.constant 3 : i32
    %dma_wait3A_110 = tpu.memref_slice %arg3[%mul3A_18, %add3A_61] : memref<128x32768xf32, #tpu.memory_space<hbm>> -> memref<8x2048xf32, #tpu.memory_space<hbm>>
    %dma_wait3A_111 = tpu.memref_slice %arg5[%dma_wait3A_109] : memref<8x!tpu.dma_semaphore, #tpu.memory_space<semaphore_mem>> -> memref<1x!tpu.dma_semaphore, #tpu.memory_space<semaphore_mem>>
    %dma_wait3A_112 = tpu.memref_squeeze %dma_wait3A_111 : memref<1x!tpu.dma_semaphore, #tpu.memory_space<semaphore_mem>> -> memref<!tpu.dma_semaphore, #tpu.memory_space<semaphore_mem>>
    %dma_wait3A_113 = tpu.memref_slice %arg3[%mul3A_18, %add3A_61] : memref<128x32768xf32, #tpu.memory_space<hbm>> -> memref<8x2048xf32, #tpu.memory_space<hbm>>
    tpu.wait_dma2 semaphore(%dma_wait3A_112 : memref<!tpu.dma_semaphore, #tpu.memory_space<semaphore_mem>>) src(%arg4 : memref<8x2048xf32, #tpu.memory_space<vmem>>) dst(%dma_wait3A_113 : memref<8x2048xf32, #tpu.memory_space<hbm>>)
    %dma_wait3A_114 = arith.constant 4 : i32
    %dma_wait3A_115 = tpu.memref_slice %arg3[%mul3A_18, %add3A_68] : memref<128x32768xf32, #tpu.memory_space<hbm>> -> memref<8x2048xf32, #tpu.memory_space<hbm>>
    %dma_wait3A_116 = tpu.memref_slice %arg5[%dma_wait3A_114] : memref<8x!tpu.dma_semaphore, #tpu.memory_space<semaphore_mem>> -> memref<1x!tpu.dma_semaphore, #tpu.memory_space<semaphore_mem>>
    %dma_wait3A_117 = tpu.memref_squeeze %dma_wait3A_116 : memref<1x!tpu.dma_semaphore, #tpu.memory_space<semaphore_mem>> -> memref<!tpu.dma_semaphore, #tpu.memory_space<semaphore_mem>>
    %dma_wait3A_118 = tpu.memref_slice %arg3[%mul3A_18, %add3A_68] : memref<128x32768xf32, #tpu.memory_space<hbm>> -> memref<8x2048xf32, #tpu.memory_space<hbm>>
    tpu.wait_dma2 semaphore(%dma_wait3A_117 : memref<!tpu.dma_semaphore, #tpu.memory_space<semaphore_mem>>) src(%arg4 : memref<8x2048xf32, #tpu.memory_space<vmem>>) dst(%dma_wait3A_118 : memref<8x2048xf32, #tpu.memory_space<hbm>>)
    %dma_wait3A_119 = arith.constant 5 : i32
    %dma_wait3A_120 = tpu.memref_slice %arg3[%mul3A_18, %add3A_75] : memref<128x32768xf32, #tpu.memory_space<hbm>> -> memref<8x2048xf32, #tpu.memory_space<hbm>>
    %dma_wait3A_121 = tpu.memref_slice %arg5[%dma_wait3A_119] : memref<8x!tpu.dma_semaphore, #tpu.memory_space<semaphore_mem>> -> memref<1x!tpu.dma_semaphore, #tpu.memory_space<semaphore_mem>>
    %dma_wait3A_122 = tpu.memref_squeeze %dma_wait3A_121 : memref<1x!tpu.dma_semaphore, #tpu.memory_space<semaphore_mem>> -> memref<!tpu.dma_semaphore, #tpu.memory_space<semaphore_mem>>
    %dma_wait3A_123 = tpu.memref_slice %arg3[%mul3A_18, %add3A_75] : memref<128x32768xf32, #tpu.memory_space<hbm>> -> memref<8x2048xf32, #tpu.memory_space<hbm>>
    tpu.wait_dma2 semaphore(%dma_wait3A_122 : memref<!tpu.dma_semaphore, #tpu.memory_space<semaphore_mem>>) src(%arg4 : memref<8x2048xf32, #tpu.memory_space<vmem>>) dst(%dma_wait3A_123 : memref<8x2048xf32, #tpu.memory_space<hbm>>)
    %dma_wait3A_124 = arith.constant 6 : i32
    %dma_wait3A_125 = tpu.memref_slice %arg3[%mul3A_18, %add3A_82] : memref<128x32768xf32, #tpu.memory_space<hbm>> -> memref<8x2048xf32, #tpu.memory_space<hbm>>
    %dma_wait3A_126 = tpu.memref_slice %arg5[%dma_wait3A_124] : memref<8x!tpu.dma_semaphore, #tpu.memory_space<semaphore_mem>> -> memref<1x!tpu.dma_semaphore, #tpu.memory_space<semaphore_mem>>
    %dma_wait3A_127 = tpu.memref_squeeze %dma_wait3A_126 : memref<1x!tpu.dma_semaphore, #tpu.memory_space<semaphore_mem>> -> memref<!tpu.dma_semaphore, #tpu.memory_space<semaphore_mem>>
    %dma_wait3A_128 = tpu.memref_slice %arg3[%mul3A_18, %add3A_82] : memref<128x32768xf32, #tpu.memory_space<hbm>> -> memref<8x2048xf32, #tpu.memory_space<hbm>>
    tpu.wait_dma2 semaphore(%dma_wait3A_127 : memref<!tpu.dma_semaphore, #tpu.memory_space<semaphore_mem>>) src(%arg4 : memref<8x2048xf32, #tpu.memory_space<vmem>>) dst(%dma_wait3A_128 : memref<8x2048xf32, #tpu.memory_space<hbm>>)
    %dma_wait3A_129 = arith.constant 7 : i32
    %dma_wait3A_130 = tpu.memref_slice %arg3[%mul3A_18, %add3A_89] : memref<128x32768xf32, #tpu.memory_space<hbm>> -> memref<8x2048xf32, #tpu.memory_space<hbm>>
    %dma_wait3A_131 = tpu.memref_slice %arg5[%dma_wait3A_129] : memref<8x!tpu.dma_semaphore, #tpu.memory_space<semaphore_mem>> -> memref<1x!tpu.dma_semaphore, #tpu.memory_space<semaphore_mem>>
    %dma_wait3A_132 = tpu.memref_squeeze %dma_wait3A_131 : memref<1x!tpu.dma_semaphore, #tpu.memory_space<semaphore_mem>> -> memref<!tpu.dma_semaphore, #tpu.memory_space<semaphore_mem>>
    %dma_wait3A_133 = tpu.memref_slice %arg3[%mul3A_18, %add3A_89] : memref<128x32768xf32, #tpu.memory_space<hbm>> -> memref<8x2048xf32, #tpu.memory_space<hbm>>
    tpu.wait_dma2 semaphore(%dma_wait3A_132 : memref<!tpu.dma_semaphore, #tpu.memory_space<semaphore_mem>>) src(%arg4 : memref<8x2048xf32, #tpu.memory_space<vmem>>) dst(%dma_wait3A_133 : memref<8x2048xf32, #tpu.memory_space<hbm>>)
    %eq3A_134 = arith.constant 0 : i32
    %eq3A_135 = arith.cmpi eq, %mul3A_18, %eq3A_134 : i32
    %convert_element_type3A = arith.extui %eq3A_135 : i1 to i32
    %cond3A = arith.constant 0 : i32
    %cond3A_136 = arith.cmpi ne, %convert_element_type3A, %cond3A : i32
    scf.if %cond3A_136 {
      "tpu.region"() ({
        %run_scoped3A = tpu.sem_alloc : memref<!tpu.dma_semaphore, #tpu.memory_space<semaphore_mem>>
        %dma_start3A_137 = arith.constant 0 : i32
        %dma_start3A_138 = tpu.memref_slice %arg3[%dma_start3A_137, %mul3A_34] : memref<128x32768xf32, #tpu.memory_space<hbm>> -> memref<1x16384xf32, #tpu.memory_space<hbm>>
        %dma_start3A_139 = arith.constant 0 : i32
        %dma_start3A_140 = tpu.memref_slice %arg2[%dma_start3A_139, %mul3A_34] : memref<128x32768xf32, #tpu.memory_space<hbm>> -> memref<1x16384xf32, #tpu.memory_space<hbm>>
        tpu.enqueue_dma source(%dma_start3A_140 : memref<1x16384xf32, #tpu.memory_space<hbm>>) target(%dma_start3A_138 : memref<1x16384xf32, #tpu.memory_space<hbm>>) target_semaphore(%run_scoped3A : memref<!tpu.dma_semaphore, #tpu.memory_space<semaphore_mem>>)
        %dma_wait3A_141 = arith.constant 0 : i32
        %dma_wait3A_142 = tpu.memref_slice %arg3[%dma_wait3A_141, %mul3A_34] : memref<128x32768xf32, #tpu.memory_space<hbm>> -> memref<1x16384xf32, #tpu.memory_space<hbm>>
        %dma_wait3A_143 = arith.constant 0 : i32
        %dma_wait3A_144 = tpu.memref_slice %arg2[%dma_wait3A_143, %mul3A_34] : memref<128x32768xf32, #tpu.memory_space<hbm>> -> memref<1x16384xf32, #tpu.memory_space<hbm>>
        tpu.wait_dma2 semaphore(%run_scoped3A : memref<!tpu.dma_semaphore, #tpu.memory_space<semaphore_mem>>) src(%dma_wait3A_144 : memref<1x16384xf32, #tpu.memory_space<hbm>>) dst(%dma_wait3A_142 : memref<1x16384xf32, #tpu.memory_space<hbm>>)
        tpu.yield
      }) : () -> ()
    } else {
    }
    return
  }
}

module attributes {stable_mosaic.version = 14 : i64} {
  func.func @_season_block(%arg0: i32, %arg1: memref<32x32768xf32, #tpu.memory_space<vmem>>, %arg2: memref<32x32768xf32, #tpu.memory_space<vmem>>) attributes {dimension_semantics = [#tpu.dimension_semantics<parallel>], iteration_bounds = array<i64: 4>, scalar_prefetch = 0 : i64, scratch_operands = 0 : i64, tpu.core_type = #tpu.core_type<tc>, window_params = [{transform_indices = @transform_0, window_bounds = array<i64: 32, 32768>}, {transform_indices = @transform_1, window_bounds = array<i64: 32, 32768>}]} {
    %get3A = arith.constant 0 : index
    %get3A_0 = arith.constant 0 : index
    %get3A_1 = vector.load %arg1[%get3A, %get3A_0] : memref<32x32768xf32, #tpu.memory_space<vmem>>, vector<32x32768xf32>
    %iota3A = tpu.iota {dimensions = array<i32: 0>} : vector<32x32768xi32>
    %mul3A = arith.constant 32 : i32
    %mul3A_2 = arith.muli %arg0, %mul3A : i32
    %add3A = vector.broadcast %mul3A_2 : i32 to vector<32x32768xi32>
    %add3A_3 = arith.addi %iota3A, %add3A : vector<32x32768xi32>
    %eq3A = arith.constant 0 : i32
    %eq3A_4 = vector.broadcast %eq3A : i32 to vector<32x32768xi32>
    %eq3A_5 = arith.cmpi eq, %add3A_3, %eq3A_4 : vector<32x32768xi32>
    %broadcast_in_dim3A = arith.constant 0.000000e+00 : f32
    %broadcast_in_dim3A_6 = vector.broadcast %broadcast_in_dim3A : f32 to vector<32x32768xf32>
    %select_n3A = arith.select %eq3A_5, %broadcast_in_dim3A_6, %get3A_1 : vector<32x32768xi1>, vector<32x32768xf32>
    %swap3A = arith.constant 0 : index
    %swap3A_7 = arith.constant 0 : index
    %swap3A_8 = vector.load %arg2[%swap3A, %swap3A_7] : memref<32x32768xf32, #tpu.memory_space<vmem>>, vector<32x32768xf32>
    tpu.vector_store %arg2[%swap3A, %swap3A_7], %select_n3A {strides = array<i32>} : memref<32x32768xf32, #tpu.memory_space<vmem>>, vector<32x32768xf32>,
    return
  }
  func.func @transform_0(%arg0: i32) -> (i32, i32) {
    %c0_i32 = arith.constant 0 : i32
    %c0_i32_0 = arith.constant 0 : i32
    return %arg0, %c0_i32 : i32, i32
  }
  func.func @transform_1(%arg0: i32) -> (i32, i32) {
    %c0_i32 = arith.constant 0 : i32
    %c0_i32_0 = arith.constant 0 : i32
    return %arg0, %c0_i32 : i32, i32
  }
}

</mosaic_0001>

<sc_bundles>
// kernel: kernel.4.cloned.1.call-start
scs
__scs_entry_jumppad:
0x0: {  	(pc) =	sbr.rel $0x88, $3  }
0x1: {  	(tag) =	ssettag $0x0;
	lr =	simm.s32 $0x1  }
0x2: {  	[smem:$0x3FA0] =	sst lr;
	_ =	strace $0xD0000000  }
0x3: {  	_ = 	snop  }
0x4: {  	_ = 	snop  }
0x5: {  	_ = 	snop  }
0x6: {  	_ = 	snop  }
0x7: {  	_ = 	snop  }
__scs_overlays_trampoline_lowered:
0x8: {  	[smem:$0x3FAF] =	sst s0  }
0x9: {  	[smem:$0x3FB0] =	sst s1  }
0xa: {  	[smem:$0x3FB1] =	sst s2  }
0xb: {  	[smem:$0x3FB2] =	sst s3  }
0xc: {  	[smem:$0x3FB3] =	sst s4  }
0xd: {  	[smem:$0x3FB4] =	sst s5  }
0xe: {  	[smem:$0x3FB5] =	sst s6  }
0xf: {  	[smem:$0x3FB6] =	sst s7  }
0x10: {  	[smem:$0x3FB7] =	sst s8  }
0x11: {  	[smem:$0x3FB8] =	sst s9;
	s0 =	simm.s32 @!p0 $0x0  }
0x12: {  	s1 =	sld [smem:$0x3F9E];
	s0 =	simm.s32 @p0 $0x1  }
0x13: {  	[smem:$0x3FB9] =	sst s0;
	s0 =	simm.s32 @!p1 $0x0  }
0x14: {  	s2 =	sld [smem:$0x3F9D];
	s0 =	simm.s32 @p1 $0x1  }
0x15: {  	[smem:$0x3FBA] =	sst s0;
	s0 =	simm.s32 @!p2 $0x0  }
0x16: {  	s3 =	sld [smem:$0x3FDB];
	s0 =	simm.s32 @p2 $0x1  }
0x17: {  	s4 =	simm.s32 $0x1BF5;
	[smem:$0x3FBC] =	sst s0  }
0x18: {  	s0 =	sld [smem:$0x3F9F];
	_ =	swait.ge [sflag:s4], $0x0  }
0x19: {  	s7 =	sld [smem:$0x3FA0]  }
0x1a: {  	s8 =	sadd.s32 $0xFFFFE003, lr  }
0x1b: {  	s9 =	sadd.s32 $0xFFFFFEF7, lr;
	s5 =	simm.s32 $0xFFFFFFFF;
	p2 =	slt.u32 s8, $0xFFFFF086  }
0x1c: {  	p1 =	slt.u32 s9, $0xF7A;
	s5 =	simm.s32 @!p2 $0x0  }
0x1d: {  	s5 =	simm.s32 @p1 $0x1;
	p0 =	seq.s32 s7, s2  }
0x1e: {  	s7 =	smul.u32 @!p0 $0xF7A, s2;
	p2 =	seq.s32 @!p0 s5, $0x0  }
0x1f: {  	s9 =	smul.u32 $0xF7A, s1;
	s8 =	simm.s32 @!p0 $0x1BF5;
	p2 =	por !p2, p0  }
0x20: {  	[sflag:s8] =	ssyncset.s32 @!p0 $0xFFFFF086;
	s6 =	sadd.s32 @!p0 s3, s7;
	s7 =	simm.s32 @!p0 $0x108  }
0x21: {  	s3 =	sadd.s32 s3, s9;
	s6 =	sadd.s32 @!p0 $0x88, s6;
	s7 =	simm.s32 @p2 $0x1082  }
0x22: {  	[simem:s7], [sflag:s8] =	dma.local @!p0 [hbm:s6], $0xF7A  }
0x23: {  	s9 =	sor.u32 $0xD0000000, s2;
	s6 =	simm.s32 $0x108;
	_ =	swait.ge @!p0 [sflag:s8], $0x0  }
0x24: {  	s3 =	sadd.s32 $0x88, s3;
	s6 =	simm.s32 @!p1 $0x1082;
	[sflag:s4] =	ssyncset.s32 $0xFFFFF086  }
0x25: {  	[simem:s6], [sflag:s4] =	dma.local [hbm:s3], $0xF7A  }
0x26: {  	[smem:$0x3FA0] =	sst s1;
	(tag) =	ssettag s2;
	_ =	strace s9  }
0x27: {  	s1 =	sld [smem:$0x3FB0]  }
0x28: {  	s2 =	sld [smem:$0x3FB1]  }
0x29: {  	s4 =	sld [smem:$0x3FB3]  }
0x2a: {  	p0 =	seq.s32 s5, $0x0;
	s5 =	sld [smem:$0x3FB4]  }
0x2b: {  	s6 =	sld [smem:$0x3FB5]  }
0x2c: {  	s7 =	sld [smem:$0x3FB6]  }
0x2d: {  	s3 =	simm.s32 $0x108;
	s8 =	sld [smem:$0x3FB7]  }
0x2e: {  	s3 =	simm.s32 @!p0 $0x1082;
	s9 =	sld [smem:$0x3FB8]  }
0x2f: {  	lr =	sadd.s32 s0, s3;
	s0 =	sld [smem:$0x3FAF]  }
0x30: {  	s3 =	sld [smem:$0x3FB2]  }
0x31: {  	[smem:$0x3FBB] =	sst s10  }
0x32: {  	s10 =	sld [smem:$0x3FB9];
	_ =	sdelay $0x3  }
0x33: {  	p0 =	seq.s32 s10, $0x1;
	s10 =	sld [smem:$0x3FBB];
	_ =	sdelay $0x3  }
0x34: {  	[smem:$0x3FBB] =	sst s10  }
0x35: {  	s10 =	sld [smem:$0x3FBA];
	_ =	sdelay $0x3  }
0x36: {  	p1 =	seq.s32 s10, $0x1;
	s10 =	sld [smem:$0x3FBB];
	_ =	sdelay $0x3  }
0x37: {  	[smem:$0x3FBB] =	sst s10  }
0x38: {  	s10 =	sld [smem:$0x3FBC]  }
0x39: {  	_ = 	snop;
	(pc) =	sbr.ind lr, $3  }
0x3a: {  	_ = 	snop  }
0x3b: {  	_ = 	snop  }
0x3c: {  	p2 =	seq.s32 s10, $0x1;
	s10 =	sld [smem:$0x3FBB]  }
0x3d: {  	_ =	shalt  }
0x3e: {  	_ =	shalt  }
0x3f: {  	_ =	shalt  }
0x40: {  	_ =	shalt  }
0x41: {  	_ =	shalt  }
0x42: {  	_ =	shalt  }
0x43: {  	_ =	shalt  }
0x44: {  	_ =	shalt  }
0x45: {  	_ =	shalt  }
0x46: {  	_ =	shalt  }
0x47: {  	_ =	shalt  }
0x48: {  	_ =	shalt  }
0x49: {  	_ =	shalt  }
0x4a: {  	_ =	shalt  }
0x4b: {  	_ =	shalt  }
0x4c: {  	_ =	shalt  }
0x4d: {  	_ =	shalt  }
0x4e: {  	_ =	shalt  }
0x4f: {  	_ =	shalt  }
0x50: {  	_ =	shalt  }
0x51: {  	_ =	shalt  }
0x52: {  	_ =	shalt  }
0x53: {  	_ =	shalt  }
0x54: {  	_ =	shalt  }
0x55: {  	_ =	shalt  }
0x56: {  	_ =	shalt  }
0x57: {  	_ =	shalt  }
0x58: {  	_ =	shalt  }
0x59: {  	_ =	shalt  }
0x5a: {  	_ =	shalt  }
0x5b: {  	_ =	shalt  }
0x5c: {  	_ =	shalt  }
0x5d: {  	_ =	shalt  }
0x5e: {  	_ =	shalt  }
0x5f: {  	_ =	shalt  }
0x60: {  	_ =	shalt  }
0x61: {  	_ =	shalt  }
0x62: {  	_ =	shalt  }
0x63: {  	_ =	shalt  }
0x64: {  	_ =	shalt  }
0x65: {  	_ =	shalt  }
0x66: {  	_ =	shalt  }
0x67: {  	_ =	shalt  }
0x68: {  	_ =	shalt  }
0x69: {  	_ =	shalt  }
0x6a: {  	_ =	shalt  }
0x6b: {  	_ =	shalt  }
0x6c: {  	_ =	shalt  }
0x6d: {  	_ =	shalt  }
0x6e: {  	_ =	shalt  }
0x6f: {  	_ =	shalt  }
0x70: {  	_ =	shalt  }
0x71: {  	_ =	shalt  }
0x72: {  	_ =	shalt  }
0x73: {  	_ =	shalt  }
0x74: {  	_ =	shalt  }
0x75: {  	_ =	shalt  }
0x76: {  	_ =	shalt  }
0x77: {  	_ =	shalt  }
0x78: {  	_ =	shalt  }
0x79: {  	_ =	shalt  }
0x7a: {  	_ =	shalt  }
0x7b: {  	_ =	shalt  }
0x7c: {  	_ =	shalt  }
0x7d: {  	_ =	shalt  }
0x7e: {  	_ =	shalt  }
0x7f: {  	_ =	shalt  }
0x80: {  	_ =	shalt  }
0x81: {  	_ =	shalt  }
0x82: {  	_ =	shalt  }
0x83: {  	_ =	shalt  }
0x84: {  	_ =	shalt  }
0x85: {  	_ =	shalt  }
0x86: {  	_ =	shalt  }
0x87: {  	_ =	shalt  }
.Lfunc_end0:
.L_simem_size_0:
called_computation_lowered:
.L_overlay_start_0:
0x88: {  	s2 =	sld [smem:$0x3FD9]  }
0x89: {  	s3 =	sld [smem:$0x3FFE];
	_ =	sdelay $0x1  }
0x8a: {  	s1 =	srdreg.scid  }
0x8b: {  	s0 =	sand.u32 $0x1, s1  }
0x8c: {  	s15 =	sshll.u32 s0, $0xA;
	s2 =	sadd.s32 s3, s2  }
0x8d: {  	s2 =	sadd.s32 s2, s15  }
0x8e: {  	[smem:$0x3FC7] =	sst s2  }
0x8f: {  	_ = 	snop  }
0x90: {  	s2 =	sld [smem:$0x3FD0];
	_ =	sdelay $0x2  }
0x91: {  	s4 =	simm.s32 $0xA;
	s5 =	simm.s32 $0x10;
	s16 =	sld [smem:$0x3FC9]  }
0x92: {  	[smem:s5], [sflag:s4] =	dma.local [hbm:s2], $0x1  }
0x93: {  	_ =	swait.eq [sflag:s4], $0x1  }
0x94: {  	[sflag:s4] =	ssyncset.done $0x0  }
0x95: {  	[sflag:s4] =	ssyncadd.s32 $0xFFFFFFFF  }
0x96: {  	s17 =	sld [smem:$0x11];
	(tm) =	ssettm $0x1  }
0x97: {  	s18 =	sld [smem:$0x3FFB];
	_ =	sdelay $0x3  }
0x98: {  	_ =	strace s18  }
0x99: {  	s4 =	sld [smem:$0x3FFC];
	_ =	sdelay $0x3  }
0x9a: {  	_ =	strace s4  }
0x9b: {  	s4 =	sld [smem:$0x3FFD];
	_ =	sdelay $0x3  }
0x9c: {  	_ =	strace s4  }
0x9d: {  	_ =	strace $0x8FFFFFFF  }
0x9e: {  	s19 =	sld [smem:$0x3FDB];
	_ =	sdelay $0x1  }
0x9f: {  	s20 =	simm.s32 $_scs_section_size  }
0xa0: {  	s6 =	simm.s32 $_size__tile_overlayer_lowered;
	s7 =	simm.s32 $_tile_overlayer_lowered  }
0xa1: {  	s23 =	simm.s32 $0x1BFF;
	s22 =	sshll.u32 s7, $0x1;
	s4 =	sadd.s32 s20, s19  }
0xa2: {  	s8 =	simm.s32 $0x0;
	s21 =	sshll.u32 s6, $0x1;
	s6 =	sadd.s32 s22, s4  }
0xa3: {  	[timem:s8], [sflag:s23] =	dma.local [hbm:s6], s21  }
0xa4: {  	_ =	swait.ge [sflag:s23], s21  }
0xa5: {  	s5 =	ssub.s32 $0x0, s21;
	[sflag:s23] =	ssyncset.done $0x0  }
0xa6: {  	[sflag:s23] =	ssyncadd.s32 s5;
	_ =	sdelay $0x1  }
0xa7: {  	s24 =	simm.s32 $0x1B8B  }
0xa8: {  	_ =	swait.ge [sflag:s24], $0x1  }
0xa9: {  	[sflag:s24] =	ssyncset.done $0x0  }
0xaa: {  	s25 =	simm.s32 $0x1B8E;
	[sflag:s24] =	ssyncadd.s32 $0xFFFFFFFF  }
0xab: {  	s26 =	simm.s32 $execute0_lowered;
	[smem:$0x3FD2] =	sst s25  }
0xac: {  	s5 =	sshll.u32 s26, $0x1;
	_ =	strace $0x80000046;
	[dreg:$0x1] =	wrdreg $0xFFFFFFFF  }
0xad: {  	s28 =	simm.s32 $_size_execute0_lowered;
	s4 =	sadd.s32 s4, s5;
	[dreg:$0x0] =	wrdreg $0x0  }
0xae: {  	s5 =	sshll.u32 s28, $0x1;
	[dreg:$0x2] =	wrdreg s4  }
0xaf: {  	[dreg:$0x3] =	wrdreg s5  }
0xb0: {  	[dreg:$0x4] =	wrdreg $0xC0  }
0xb1: {  	_ =	task [dreg:s8], $0x5FFFF  }
0xb2: {  	[dreg:$0x1] =	wrdreg $0xFFFFFFFF  }
0xb3: {  	[dreg:$0x0] =	wrdreg $0x60  }
0xb4: {  	[dreg:$0x2] =	wrdreg s16  }
0xb5: {  	[dreg:$0x3] =	wrdreg s17  }
0xb6: {  	[dreg:$0x4] =	wrdreg $0x9  }
0xb7: {  	_ =	task.clear_ibuf [dreg:s8], $0x5FFFF;
	_ =	strace $0x90000046  }
0xb8: {  	s29 =	simm.s32 $0x9;
	_ =	strace $0x80000048  }
0xb9: {  	_ =	swait.ge [sflag:s29], $0x1  }
0xba: {  	[sflag:s29] =	ssyncadd.s32 $0xFFFFFFFF  }
0xbb: {  	_ =	strace $0x90000048  }
0xbc: {  	_ =	sfence  }
0xbd: {  	s30 =	sld [smem:$0x0];
	_ =	sdelay $0x2  }
0xbe: {  	s31 =	sshll.u32 s1, $0xD;
	s1 =	sshrl.u32 s1, $0x2  }
0xbf: {  	s3 =	sand.u32 $0x4000, s31;
	s1 =	sadd.s32 s1, s30  }
0xc0: {  	s0 =	sor.u32 s3, s0;
	s1 =	sshll.u32 s1, $0x11  }
0xc1: {  	s0 =	sor.u32 s1, s0  }
0xc2: {  	s0 =	sadd.s32 $0x8F2B, s0  }
0xc3: {  	[sflag:s0] =	ssyncadd.remote.s32 $0x1  }
0xc4: {  	_ =	sfence.sel $0xFFFF  }
0xc5: {  	[dreg:$0x0] =	wrdreg $0xFFFFFFFF;
	(pc) =	sbr.abs _section_cstart, $3  }
0xc6: {  	[dreg:$0x1] =	wrdreg $0xFFFFFFFF  }
0xc7: {  	_ =	task.clear_ibuf [dreg:s8], $0x2FFFF;
	_ =	strace $0x9FFFFFFF  }
0xc8: {  	(tm) =	ssettm $0x7FFFFFFF  }
0xc9: {  	_ =	shalt  }
tec
execute0_lowered:
.L_overlay_start_1:
0x0: {  	(tag) =	ssettag $0x1  }
0x1: {  	s1 =	srdreg.scid;
	s13 =	rddreg [dreg:$0x0]  }
0x2: {  	s0 =	stileid.u32;
	s4 =	rddreg [dreg:$0x1]  }
0x3: {  	s5 =	simm.s32 $0x1;
	s2 =	simm.s32 $0x0;
	s18 =	simm.s32 $0x5  }
0x4: {  	s19 =	simm.s32 $0x6;
	s20 =	simm.s32 $0x7;
	s3 =	sand.u32 $0x1, s1  }
0x5: {  	s21 =	simm.s32 $0x8;
	s22 =	simm.s32 $0x0;
	s1 =	sor.u32 s3, s0  }
0x6: {  	[smem:$0x7FF] =	sst s2;
	p1 =	seq.s32 s3, $0x1;
	p0 =	seq.s32 s1, $0x0  }
0x7: {  	s30 =	ssub.s32 $0x2, s3;
	s7 =	sshll.u32 s3, $0x11;
	p0 =	por !p0, !p1  }
0x8: {  	s16 =	sshll.u32 s3, $0xE;
	s1 =	rddreg [dreg:$0x2];
	p0 =	por !p0, !p0  }
0x9: {  	_ =	strace $0x80000047;
	s8 =	sshrl.u32 s30, $0x1;
	s5 =	simm.s32 @!p0 $0x0  }
0xa: {  	s3 =	sadd.s32 s4, s16;
	s13 =	sadd.s32 s13, s16;
	s14 =	ssub.s32 s0, s5  }
0xb: {  	s16 =	simm.s32 $0x3;
	s15 =	ssub.s32 s30, s8;
	s6 =	sshll.u32 s14, $0x12  }
0xc: {  	s17 =	sand.u32 $0x1FFFFFFF, s14;
	s14 =	smax.u32 s15, $0x1;
	s7 =	sor.u32 s7, s6  }
0xd: {  	s15 =	simm.s32 $0x2;
	s6 =	sshrl.u32 s6, $0x3;
	s31 =	sshrl.u32 s7, $0x3  }
0xe: {  	p0 =	sne.s32 s17, $0x0;
	s17 =	simm.s32 $0x4;
	s12 =	sadd.s32 s31, s4  }
0xf: {  	s5 =	sadd.s32 s6, s3;
	s4 =	simm.s32 $0x1;
	s6 =	sadd.s32 $0x800, s12  }
0x10: {  	s7 =	sadd.s32 $0x1000, s12;
	s8 =	sadd.s32 $0x1800, s12;
	s9 =	sadd.s32 $0x2000, s12  }
0x11: {  	v0 =	vimm.f32 $0.0e+00;
	s10 =	sadd.s32 $0x2800, s12;
	s11 =	sadd.s32 $0x3000, s12;
	s12 =	sadd.s32 $0x3800, s12  }
.LBB2_1:
0x12: {  	s23 =	sand.u32 $0x380, s2;
	s24 =	sand.u32 $0x3C00, s2  }
0x13: {  	s25 =	sand.u32 $0x70, s2;
	s23 =	sor.u32 s23, s24  }
0x14: {  	s24 =	sor.u32 s25, s23  }
0x15: {  	s23 =	simm.s32 $0x1;
	s25 =	simm.s32 $0x0;
	[tilespmem:s24+$0x0] =	vst v0;
	s24 =	simm.s32 $0x0  }
.LBB2_2:
0x16: {  	s26 =	sand.u32 $0x380, s23;
	p1 =	sne.s32 s23, $0x3FF  }
.Ltmp0:
0x17: {  	s24 =	sadd.s32 $0x10, s24;
	s25 =	sadd.s32 $0x80, s25;
	(pc) =	sbr.rel @p1 .LBB2_2-.Ltmp0, $4  }
0x18: {  	s23 =	sadd.s32 $0x1, s23;
	s28 =	sand.u32 $0x3C00, s25  }
0x19: {  	s29 =	sand.u32 $0x70, s24;
	s26 =	sor.u32 s26, s28  }
0x1a: {  	s26 =	sor.u32 s29, s26  }
0x1b: {  	[tilespmem:s26+$0x0] =	vst v0  }
0x1c: {  	[hbm4b:s5+s2] =	stream.linear.scatter [tilespmem:s2], [sflag:$0x1], $0x4000, $0x38;
	[tilespmem:$0x4000] =	vst v63  }
0x1d: {  	_ = 	snop  }
0x1e: {  	[hbm4b:s6+s2] =	stream.linear.scatter [tilespmem:s2], [sflag:$0x2], $0x4000, $0x38;
	[tilespmem:$0x4000] =	vst v63  }
0x1f: {  	_ = 	snop  }
0x20: {  	[hbm4b:s7+s2] =	stream.linear.scatter [tilespmem:s2], [sflag:$0x3], $0x4000, $0x38;
	[tilespmem:$0x4000] =	vst v63  }
0x21: {  	_ = 	snop  }
0x22: {  	[hbm4b:s8+s2] =	stream.linear.scatter [tilespmem:s2], [sflag:$0x4], $0x4000, $0x38;
	[tilespmem:$0x4000] =	vst v63  }
0x23: {  	_ = 	snop  }
0x24: {  	[hbm4b:s9+s2] =	stream.linear.scatter [tilespmem:s2], [sflag:$0x5], $0x4000, $0x38;
	[tilespmem:$0x4000] =	vst v63  }
0x25: {  	_ = 	snop  }
0x26: {  	[hbm4b:s10+s2] =	stream.linear.scatter [tilespmem:s2], [sflag:$0x6], $0x4000, $0x38;
	[tilespmem:$0x4000] =	vst v63  }
0x27: {  	_ = 	snop  }
0x28: {  	[hbm4b:s11+s2] =	stream.linear.scatter [tilespmem:s2], [sflag:$0x7], $0x4000, $0x38;
	[tilespmem:$0x4000] =	vst v63  }
0x29: {  	_ = 	snop  }
0x2a: {  	[hbm4b:s12+s2] =	stream.linear.scatter [tilespmem:s2], [sflag:$0x8], $0x4000, $0x38;
	[tilespmem:$0x4000] =	vst v63  }
0x2b: {  	_ =	swait.ge [sflag:s4], $0x4000  }
0x2c: {  	[sflag:s4] =	ssyncset.done $0x0  }
0x2d: {  	[sflag:s4] =	ssyncadd.s32 $0xFFFFC000  }
0x2e: {  	_ =	swait.ge [sflag:s15], $0x4000  }
0x2f: {  	[sflag:s15] =	ssyncset.done $0x0  }
0x30: {  	[sflag:s15] =	ssyncadd.s32 $0xFFFFC000  }
0x31: {  	_ =	swait.ge [sflag:s16], $0x4000  }
0x32: {  	[sflag:s16] =	ssyncset.done $0x0  }
0x33: {  	[sflag:s16] =	ssyncadd.s32 $0xFFFFC000  }
0x34: {  	_ =	swait.ge [sflag:s17], $0x4000  }
0x35: {  	[sflag:s17] =	ssyncset.done $0x0  }
0x36: {  	[sflag:s17] =	ssyncadd.s32 $0xFFFFC000  }
0x37: {  	_ =	swait.ge [sflag:s18], $0x4000  }
0x38: {  	[sflag:s18] =	ssyncset.done $0x0  }
0x39: {  	[sflag:s18] =	ssyncadd.s32 $0xFFFFC000  }
0x3a: {  	_ =	swait.ge [sflag:s19], $0x4000  }
0x3b: {  	[sflag:s19] =	ssyncset.done $0x0  }
0x3c: {  	[sflag:s19] =	ssyncadd.s32 $0xFFFFC000  }
0x3d: {  	_ =	swait.ge [sflag:s20], $0x4000  }
0x3e: {  	[sflag:s20] =	ssyncset.done $0x0  }
0x3f: {  	[sflag:s20] =	ssyncadd.s32 $0xFFFFC000  }
0x40: {  	s23 =	sshll.u32 @!p0 s0, $0x6;
	s24 =	simm.s32 @!p0 $0x1;
	_ =	swait.ge [sflag:s21], $0x4000  }
0x41: {  	s25 =	simm.s32 @!p0 $0x80;
	s22 =	sadd.s32 $0x1, s22;
	[sflag:s21] =	ssyncset.done $0x0  }
0x42: {  	s23 =	sor.u32 @!p0 $0x1C09, s23;
	p1 =	sne.s32 s22, s14;
	[sflag:s21] =	ssyncadd.s32 $0xFFFFC000  }
0x43: {  	[hbm:s3@s25], [sflag:s23] =	dma.strided @!p0 [hbm:s13@s25], $0x800, s24, $0x10   }
.Ltmp1:
0x44: {  	_ = 	snop;
	(pc) =	sbr.rel @p1 .LBB2_1-.Ltmp1, $4  }
0x45: {  	s23 =	simm.s32 @!p0 $0x9  }
0x46: {  	_ =	swait.ge @!p0 [sflag:s23], $0x800  }
0x47: {  	[sflag:s23] =	ssyncset.done @!p0 $0x0  }
0x48: {  	[sflag:s23] =	ssyncadd.s32 @!p0 $0xFFFFF800  }
0x49: {  	_ =	sfence.sel $0x180000  }
0x4a: {  	[bflag:$0x0] =	sbarrier.arrive $0xFFFF  }
0x4b: {  	p0 =	sne.s32 s0, $0x0;
	_ =	strace $0x90000047  }
0x4c: {  	s0 =	sadd.s32 @!p0 $0x100000, s1;
	[bflag:$0x2] =	sbarrier.arrive $0xFFFF  }
0x4d: {  	[sflag:s0] =	ssyncadd.tile.s32 @!p0 $0x1;
	_ =	shalt  }
.Lfunc_end2:
_tile_overlayer_lowered:
.L_overlay_start_2:
0x4e: {  	(tag) =	ssettag $0x2  }
0x4f: {  	s0 =	rddreg [dreg:$0x0];
	s2 =	stileid.u32  }
0x50: {  	s1 =	rddreg [dreg:$0x1];
	p0 =	sne.s32 s2, $0x0  }
0x51: {  	s3 =	rddreg [dreg:$0x2];
	[bflag:$0x3] =	sbarrier.arrive $0xFFFF;
	s2 =	simm.s32 @!p0 $0x1C09  }
0x52: {  	[timem:s3], [sflag:s2] =	dma.local @!p0 [hbm:s0], s1  }
0x53: {  	s0 =	simm.s32 @!p0 $0x9  }
0x54: {  	_ =	swait.ge @!p0 [sflag:s0], s1  }
0x55: {  	s1 =	ssub.s32 @!p0 $0x0, s1;
	[sflag:s0] =	ssyncset.done @!p0 $0x0  }
0x56: {  	[sflag:s0] =	ssyncadd.s32 @!p0 s1  }
0x57: {  	[bflag:$0x3] =	sbarrier.arrive $0xFFFF  }
0x58: {  	_ =	shalt  }

</sc_bundles>
